<compile_context>
chip_gen: v7x
topology: tpu7x:2x2x1
jax: 0.10.2.dev20260603
libtpu: 0.0.44.dev20260713+nightly
codegen_flags: <defaults>
</compile_context>

<pallas_src>
import functools

import jax
import jax.numpy as jnp
from jax import lax
from jax.experimental import pallas as pl
from jax.experimental.pallas import tpu as pltpu
from jax.experimental.pallas import tpu_sc as plsc

_B, _S, _D = 4, 2048, 16
_Q = 2048
_CS = 512
_NCH = _S // _CS

_NC, _NS = 2, 16
_NW = _NC * _NS
_ROWS = _B * _S
_RPW = _ROWS // _NW
_CHUNK = 128


def _fm_kernel(mask_ref, data_ref, x0_ref, idx_ref):
    b = pl.program_id(0)
    mask = mask_ref[0] > 0.0

    dat = data_ref[0]
    x = jnp.where(mask, dat, x0_ref[0])
    yh, ym, yl = _split3(dat)
    xh, xm, xl = _split3(x)

    dn = jnp.sum(dat * dat, axis=1, keepdims=True)
    hdn = -0.5 * dn
    nh = hdn.astype(jnp.bfloat16)
    r1 = hdn - nh.astype(jnp.float32)
    nm = r1.astype(jnp.bfloat16)
    nl = (r1 - nm.astype(jnp.float32)).astype(jnp.bfloat16)

    ones = jnp.ones((_Q, 3), jnp.bfloat16)
    lhs = jnp.concatenate([xh, xm, xl, xh, xm, xh, ones], axis=1)
    rhs = jnp.concatenate([yh, yh, yh, ym, ym, yl, nh, nm, nl], axis=1)

    lane = lax.broadcasted_iota(jnp.int32, (_Q, _CS), 1)
    run_v = jnp.zeros((_Q, _CS), jnp.float32)
    run_col = lane
    for c in range(_NCH):
        s = lax.dot_general(
            lhs, rhs[c * _CS:(c + 1) * _CS],
            (((1,), (1,)), ((), ())),
            preferred_element_type=jnp.float32,
        )
        if c == 0:
            run_v = s
        else:
            gt = s > run_v
            run_v = jnp.where(gt, s, run_v)
            run_col = jnp.where(gt, lane + c * _CS, run_col)
    m = jnp.max(run_v, axis=1, keepdims=True)
    cand = jnp.where(run_v == m, run_col, jnp.int32(_S))
    idx = jnp.min(cand, axis=1)
    idx_ref[0, 0, :] = idx + b * _S


_sc_mesh = plsc.VectorSubcoreMesh(
    core_axis_name="c", subcore_axis_name="s",
    num_cores=_NC, num_subcores=_NS,
)


@functools.partial(
    pl.kernel,
    out_type=jax.ShapeDtypeStruct((_ROWS, 3 * _D), jnp.float32),
    mesh=_sc_mesh,
    scratch_types=[
        pltpu.VMEM((_RPW,), jnp.int32),
        pltpu.VMEM((_RPW, _D), jnp.float32),
        pltpu.VMEM((_RPW, _D), jnp.float32),
        pltpu.VMEM((_RPW, _D), jnp.float32),
        pltpu.VMEM((_RPW, 3 * _D), jnp.float32),
        pltpu.VMEM((_D,), jnp.float32),
        pltpu.VMEM((_D,), jnp.float32),
        pltpu.SemaphoreType.DMA,
    ],
    compiler_params=pltpu.CompilerParams(use_tc_tiling_on_sc=False),
)
def _sc_kernel(x0_hbm, data_hbm, t_hbm, mask_hbm, idx_hbm, out_hbm,
               idx_v, x0_v, dat_v, near_v, out_v, t_v, m_v, sem):
    wid = lax.axis_index("s") * _NC + lax.axis_index("c")
    base = wid * _RPW
    bidx = wid // (_NW // _B)
    pltpu.sync_copy(idx_hbm.at[pl.ds(base, _RPW)], idx_v)
    copies = [
        pltpu.async_copy(
            data_hbm.at[idx_v.at[pl.ds(j * _CHUNK, _CHUNK)]],
            near_v.at[pl.ds(j * _CHUNK, _CHUNK)],
            sem,
        )
        for j in range(_RPW // _CHUNK)
    ]
    pltpu.sync_copy(x0_hbm.at[pl.ds(base, _RPW)], x0_v)
    pltpu.sync_copy(data_hbm.at[pl.ds(base, _RPW)], dat_v)
    pltpu.sync_copy(t_hbm.at[bidx], t_v)
    pltpu.sync_copy(mask_hbm.at[0], m_v)
    for cpy in copies:
        cpy.wait()

    tv = t_v[...]
    mv = m_v[...] > 0.0
    omt = 1.0 - tv

    def body(i, carry):
        for j in range(4):
            r = i * 4 + j
            d = dat_v[r, :]
            x0r = x0_v[r, :]
            xmg = jnp.where(mv, d, x0r)
            out_v[r, pl.ds(0, _D)] = jnp.where(mv, d, tv * d + omt * xmg)
            out_v[r, pl.ds(_D, _D)] = d - xmg
            out_v[r, pl.ds(2 * _D, _D)] = near_v[r, :]
        return carry

    lax.fori_loop(0, _RPW // 4, body, 0)
    pltpu.sync_copy(out_v, out_hbm.at[pl.ds(base, _RPW)])


def _split3(v):
    hi = v.astype(jnp.bfloat16)
    r1 = v - hi.astype(jnp.float32)
    mid = r1.astype(jnp.bfloat16)
    lo = (r1 - mid.astype(jnp.float32)).astype(jnp.bfloat16)
    return hi, mid, lo


@jax.jit
def kernel(x0, data, t, condition_mask):
    mask_f = condition_mask.reshape(1, _D).astype(jnp.float32)
    idxg = pl.pallas_call(
        _fm_kernel,
        grid=(_B,),
        in_specs=[
            pl.BlockSpec((1, _D), lambda b: (0, 0)),
            pl.BlockSpec((1, _S, _D), lambda b: (b, 0, 0)),
            pl.BlockSpec((1, _Q, _D), lambda b: (b, 0, 0)),
        ],
        out_specs=pl.BlockSpec((1, 1, _Q), lambda b: (b, 0, 0)),
        out_shape=jax.ShapeDtypeStruct((_B, 1, _S), jnp.int32),
    )(mask_f, data, x0)
    t4 = jnp.broadcast_to(t.reshape(_B, 1), (_B, _D)).astype(jnp.float32)
    out = _sc_kernel(
        x0.reshape(_ROWS, _D),
        data.reshape(_ROWS, _D),
        t4,
        mask_f,
        idxg.reshape(_ROWS),
    )
    return out.reshape(_B, _S, 3 * _D)

# --- scband reference (transcript-rebuilt; emitter-appended) ---
"""Pipeline reference for scband-flow-matching-31044023615894 (READ-ONLY COPY).

The authoritative reference and input builder live on the scoring server;
editing this copy changes nothing except your own understanding.
"""

import jax, jax.numpy as jnp
import numpy as np


def setup_inputs(seed: int = 0) -> dict:
    key = jax.random.key(seed)
    k1, k2, k3 = jax.random.split(key, 3)
    B, S, D = 4, 2048, 16
    x0 = jax.random.normal(k1, (B, S, D), dtype=jnp.float32)
    data = jax.random.normal(k2, (B, S, D), dtype=jnp.float32)
    t = jax.random.uniform(k3, (B,), dtype=jnp.float32)
    # condition_mask buffer from init_kwargs: first 4 of 16 feature dims are conditioned
    condition_mask = jnp.array([True] * 4 + [False] * 12)
    return {"x0": x0, "data": data, "t": t, "condition_mask": condition_mask}


def reference(x0, data, t, condition_mask):
    # x0[..., condition_mask] = data[..., condition_mask]
    cm = condition_mask
    x0c = jnp.where(cm, data, x0)
    # 1-NN retrieval core: pairwise L2 distance between noise samples and data samples
    diff = x0c[:, :, None, :] - data[:, None, :, :]  # [B, S, S, D]
    min_dist = jnp.sqrt(jnp.sum(diff * diff, axis=-1) + 1e-12)  # [B, S, S]
    idx = jnp.argmin(min_dist, axis=-1)  # [B, S] nearest data index per noise row
    # ConditionalFlowMatcher (sigma=0): xt = t*x1 + (1-t)*x0, ut = x1 - x0
    tb = t[:, None, None]
    xt = tb * data + (1.0 - tb) * x0c
    ut = data - x0c
    # xt[..., condition_mask] = data[..., condition_mask]
    xt = jnp.where(cm, data, xt)
    # gather the retrieved nearest-neighbor data rows (knn assignment output)
    nearest = jnp.take_along_axis(data, idx[:, :, None], axis=1)  # [B, S, D]
    return jnp.concatenate([xt, ut, nearest], axis=-1)  # [B, S, 3*D]

if __name__ == "__main__":
    import jax
    _d = setup_inputs()
    print(jax.jit(kernel)(*tuple(_d.values())))

</pallas_src>

<mosaic_0001>
#map = affine_map<(d0, d1) -> (0, 0)>
#map1 = affine_map<(d0, d1) -> (0)>
module attributes {stable_mosaic.version = 14 : i64} {
  func.func @_sc_kernel(%arg0: i32, %arg1: i32, %arg2: memref<8192x16xf32, #tpu.memory_space<hbm>>, %arg3: memref<8192x16xf32, #tpu.memory_space<hbm>>, %arg4: memref<4x16xf32, #tpu.memory_space<hbm>>, %arg5: memref<1x16xf32, #tpu.memory_space<hbm>>, %arg6: memref<8192xi32, #tpu.memory_space<hbm>>, %arg7: memref<8192x48xf32, #tpu.memory_space<hbm>>, %arg8: memref<256xi32, #tpu.memory_space<vmem>>, %arg9: memref<256x16xf32, #tpu.memory_space<vmem>>, %arg10: memref<256x16xf32, #tpu.memory_space<vmem>>, %arg11: memref<256x16xf32, #tpu.memory_space<vmem>>, %arg12: memref<256x48xf32, #tpu.memory_space<vmem>>, %arg13: memref<16xf32, #tpu.memory_space<vmem>>, %arg14: memref<16xf32, #tpu.memory_space<vmem>>, %arg15: memref<!tpu.dma_semaphore, #tpu.memory_space<semaphore_mem>>) attributes {dimension_semantics = [#tpu.dimension_semantics<core_parallel>, #tpu.dimension_semantics<subcore_parallel>], iteration_bounds = array<i64: 2, 16>, scalar_prefetch = 0 : i64, scratch_operands = 8 : i64, tpu.core_type = #tpu.core_type<sc_vector_subcore>, window_params = [{transform_indices = #map}, {transform_indices = #map}, {transform_indices = #map}, {transform_indices = #map}, {transform_indices = #map1}, {transform_indices = #map}]} {
    %mul3A = arith.constant 2 : i32
    %mul3A_0 = arith.muli %arg1, %mul3A : i32
    %add3A = arith.addi %mul3A_0, %arg0 : i32
    %mul3A_1 = arith.constant 256 : i32
    %mul3A_2 = arith.muli %add3A, %mul3A_1 : i32
    %jit3A = arith.constant 8 : i32
    %div3A = arith.divsi %add3A, %jit3A : i32
    %sign3A = arith.constant 0 : i32
    %sign3A_3 = arith.cmpi sgt, %add3A, %sign3A : i32
    %sign3A_4 = arith.extui %sign3A_3 : i1 to i32
    %sign3A_5 = arith.constant 0 : i32
    %sign3A_6 = arith.cmpi slt, %add3A, %sign3A_5 : i32
    %sign3A_7 = arith.extui %sign3A_6 : i1 to i32
    %sign3A_8 = arith.subi %sign3A_4, %sign3A_7 : i32
    %sign3A_9 = arith.constant 0 : i32
    %sign3A_10 = arith.cmpi sgt, %jit3A, %sign3A_9 : i32
    %sign3A_11 = arith.extui %sign3A_10 : i1 to i32
    %sign3A_12 = arith.constant 0 : i32
    %sign3A_13 = arith.cmpi slt, %jit3A, %sign3A_12 : i32
    %sign3A_14 = arith.extui %sign3A_13 : i1 to i32
    %sign3A_15 = arith.subi %sign3A_11, %sign3A_14 : i32
    %ne3A = arith.cmpi ne, %sign3A_8, %sign3A_15 : i32
    %rem3A = arith.remsi %add3A, %jit3A : i32
    %ne3A_16 = arith.constant 0 : i32
    %ne3A_17 = arith.cmpi ne, %rem3A, %ne3A_16 : i32
    %and3A = arith.andi %ne3A, %ne3A_17 : i1
    %sub3A = arith.constant 1 : i32
    %sub3A_18 = arith.subi %div3A, %sub3A : i32
    %select_n3A = arith.select %and3A, %sub3A_18, %div3A : i32
    "tpu.region"() ({
      %run_scoped3A_64 = tpu.sem_alloc : memref<!tpu.dma_semaphore, #tpu.memory_space<semaphore_mem>>
      %dma_start3A_65 = tpu.memref_slice %arg6[%mul3A_2] : memref<8192xi32, #tpu.memory_space<hbm>> -> memref<256xi32, #tpu.memory_space<hbm>>
      %dma_start3A_66 = tpu.memref_slice %arg6[%mul3A_2] : memref<8192xi32, #tpu.memory_space<hbm>> -> memref<256xi32, #tpu.memory_space<hbm>>
      tpu.enqueue_dma source(%dma_start3A_66 : memref<256xi32, #tpu.memory_space<hbm>>) target(%arg8 : memref<256xi32, #tpu.memory_space<vmem>>) target_semaphore(%run_scoped3A_64 : memref<!tpu.dma_semaphore, #tpu.memory_space<semaphore_mem>>)
      %dma_wait3A_67 = tpu.memref_slice %arg6[%mul3A_2] : memref<8192xi32, #tpu.memory_space<hbm>> -> memref<256xi32, #tpu.memory_space<hbm>>
      %dma_wait3A_68 = tpu.memref_slice %arg6[%mul3A_2] : memref<8192xi32, #tpu.memory_space<hbm>> -> memref<256xi32, #tpu.memory_space<hbm>>
      tpu.wait_dma2 semaphore(%run_scoped3A_64 : memref<!tpu.dma_semaphore, #tpu.memory_space<semaphore_mem>>) src(%dma_wait3A_68 : memref<256xi32, #tpu.memory_space<hbm>>) dst(%arg8 : memref<256xi32, #tpu.memory_space<vmem>>)
      tpu.yield
    }) : () -> ()
    %dma_start3A = arith.constant 0 : i32
    %dma_start3A_19 = arith.constant 0 : i32
    %dma_start3A_20 = tpu.memref_slice %arg11[%dma_start3A, %dma_start3A_19] : memref<256x16xf32, #tpu.memory_space<vmem>> -> memref<128x16xf32, #tpu.memory_space<vmem>>
    %dma_start3A_21 = arith.constant 0 : i32
    %dma_start3A_22 = tpu.memref_slice %arg8[%dma_start3A_21] : memref<256xi32, #tpu.memory_space<vmem>> -> memref<128xi32, #tpu.memory_space<vmem>>
    %dma_start3A_23 = arith.constant 0 : i32
    %dma_start3A_24 = arith.constant 0 : i32
    %dma_start3A_25 = tpu.memref_slice %arg3[%dma_start3A_23, %dma_start3A_24] : memref<8192x16xf32, #tpu.memory_space<hbm>> -> memref<8192x16xf32, #tpu.memory_space<hbm>>
    tpu.enqueue_indirect_dma source(%dma_start3A_25 : memref<8192x16xf32, #tpu.memory_space<hbm>>) target(%dma_start3A_20 : memref<128x16xf32, #tpu.memory_space<vmem>>) offsets(%dma_start3A_22 : memref<128xi32, #tpu.memory_space<vmem>>) semaphore(%arg15 : memref<!tpu.dma_semaphore, #tpu.memory_space<semaphore_mem>>)
    %dma_start3A_26 = arith.constant 128 : i32
    %dma_start3A_27 = arith.constant 0 : i32
    %dma_start3A_28 = tpu.memref_slice %arg11[%dma_start3A_26, %dma_start3A_27] : memref<256x16xf32, #tpu.memory_space<vmem>> -> memref<128x16xf32, #tpu.memory_space<vmem>>
    %dma_start3A_29 = arith.constant 128 : i32
    %dma_start3A_30 = tpu.memref_slice %arg8[%dma_start3A_29] : memref<256xi32, #tpu.memory_space<vmem>> -> memref<128xi32, #tpu.memory_space<vmem>>
    %dma_start3A_31 = arith.constant 0 : i32
    %dma_start3A_32 = arith.constant 0 : i32
    %dma_start3A_33 = tpu.memref_slice %arg3[%dma_start3A_31, %dma_start3A_32] : memref<8192x16xf32, #tpu.memory_space<hbm>> -> memref<8192x16xf32, #tpu.memory_space<hbm>>
    tpu.enqueue_indirect_dma source(%dma_start3A_33 : memref<8192x16xf32, #tpu.memory_space<hbm>>) target(%dma_start3A_28 : memref<128x16xf32, #tpu.memory_space<vmem>>) offsets(%dma_start3A_30 : memref<128xi32, #tpu.memory_space<vmem>>) semaphore(%arg15 : memref<!tpu.dma_semaphore, #tpu.memory_space<semaphore_mem>>)
    "tpu.region"() ({
      %run_scoped3A_64 = tpu.sem_alloc : memref<!tpu.dma_semaphore, #tpu.memory_space<semaphore_mem>>
      %dma_start3A_65 = arith.constant 0 : i32
      %dma_start3A_66 = tpu.memref_slice %arg2[%mul3A_2, %dma_start3A_65] : memref<8192x16xf32, #tpu.memory_space<hbm>> -> memref<256x16xf32, #tpu.memory_space<hbm>>
      %dma_start3A_67 = arith.constant 0 : i32
      %dma_start3A_68 = tpu.memref_slice %arg2[%mul3A_2, %dma_start3A_67] : memref<8192x16xf32, #tpu.memory_space<hbm>> -> memref<256x16xf32, #tpu.memory_space<hbm>>
      tpu.enqueue_dma source(%dma_start3A_68 : memref<256x16xf32, #tpu.memory_space<hbm>>) target(%arg9 : memref<256x16xf32, #tpu.memory_space<vmem>>) target_semaphore(%run_scoped3A_64 : memref<!tpu.dma_semaphore, #tpu.memory_space<semaphore_mem>>)
      %dma_wait3A_69 = arith.constant 0 : i32
      %dma_wait3A_70 = tpu.memref_slice %arg2[%mul3A_2, %dma_wait3A_69] : memref<8192x16xf32, #tpu.memory_space<hbm>> -> memref<256x16xf32, #tpu.memory_space<hbm>>
      %dma_wait3A_71 = arith.constant 0 : i32
      %dma_wait3A_72 = tpu.memref_slice %arg2[%mul3A_2, %dma_wait3A_71] : memref<8192x16xf32, #tpu.memory_space<hbm>> -> memref<256x16xf32, #tpu.memory_space<hbm>>
      tpu.wait_dma2 semaphore(%run_scoped3A_64 : memref<!tpu.dma_semaphore, #tpu.memory_space<semaphore_mem>>) src(%dma_wait3A_72 : memref<256x16xf32, #tpu.memory_space<hbm>>) dst(%arg9 : memref<256x16xf32, #tpu.memory_space<vmem>>)
      tpu.yield
    }) : () -> ()
    "tpu.region"() ({
      %run_scoped3A_64 = tpu.sem_alloc : memref<!tpu.dma_semaphore, #tpu.memory_space<semaphore_mem>>
      %dma_start3A_65 = arith.constant 0 : i32
      %dma_start3A_66 = tpu.memref_slice %arg3[%mul3A_2, %dma_start3A_65] : memref<8192x16xf32, #tpu.memory_space<hbm>> -> memref<256x16xf32, #tpu.memory_space<hbm>>
      %dma_start3A_67 = arith.constant 0 : i32
      %dma_start3A_68 = tpu.memref_slice %arg3[%mul3A_2, %dma_start3A_67] : memref<8192x16xf32, #tpu.memory_space<hbm>> -> memref<256x16xf32, #tpu.memory_space<hbm>>
      tpu.enqueue_dma source(%dma_start3A_68 : memref<256x16xf32, #tpu.memory_space<hbm>>) target(%arg10 : memref<256x16xf32, #tpu.memory_space<vmem>>) target_semaphore(%run_scoped3A_64 : memref<!tpu.dma_semaphore, #tpu.memory_space<semaphore_mem>>)
      %dma_wait3A_69 = arith.constant 0 : i32
      %dma_wait3A_70 = tpu.memref_slice %arg3[%mul3A_2, %dma_wait3A_69] : memref<8192x16xf32, #tpu.memory_space<hbm>> -> memref<256x16xf32, #tpu.memory_space<hbm>>
      %dma_wait3A_71 = arith.constant 0 : i32
      %dma_wait3A_72 = tpu.memref_slice %arg3[%mul3A_2, %dma_wait3A_71] : memref<8192x16xf32, #tpu.memory_space<hbm>> -> memref<256x16xf32, #tpu.memory_space<hbm>>
      tpu.wait_dma2 semaphore(%run_scoped3A_64 : memref<!tpu.dma_semaphore, #tpu.memory_space<semaphore_mem>>) src(%dma_wait3A_72 : memref<256x16xf32, #tpu.memory_space<hbm>>) dst(%arg10 : memref<256x16xf32, #tpu.memory_space<vmem>>)
      tpu.yield
    }) : () -> ()
    "tpu.region"() ({
      %run_scoped3A_64 = tpu.sem_alloc : memref<!tpu.dma_semaphore, #tpu.memory_space<semaphore_mem>>
      %dma_start3A_65 = arith.constant 0 : i32
      %dma_start3A_66 = tpu.memref_slice %arg4[%select_n3A, %dma_start3A_65] : memref<4x16xf32, #tpu.memory_space<hbm>> -> memref<1x16xf32, #tpu.memory_space<hbm>>
      %dma_start3A_67 = tpu.memref_squeeze %dma_start3A_66 : memref<1x16xf32, #tpu.memory_space<hbm>> -> memref<16xf32, #tpu.memory_space<hbm>>
      %dma_start3A_68 = arith.constant 0 : i32
      %dma_start3A_69 = tpu.memref_slice %arg4[%select_n3A, %dma_start3A_68] : memref<4x16xf32, #tpu.memory_space<hbm>> -> memref<1x16xf32, #tpu.memory_space<hbm>>
      %dma_start3A_70 = tpu.memref_squeeze %dma_start3A_69 : memref<1x16xf32, #tpu.memory_space<hbm>> -> memref<16xf32, #tpu.memory_space<hbm>>
      tpu.enqueue_dma source(%dma_start3A_70 : memref<16xf32, #tpu.memory_space<hbm>>) target(%arg13 : memref<16xf32, #tpu.memory_space<vmem>>) target_semaphore(%run_scoped3A_64 : memref<!tpu.dma_semaphore, #tpu.memory_space<semaphore_mem>>)
      %dma_wait3A_71 = arith.constant 0 : i32
      %dma_wait3A_72 = tpu.memref_slice %arg4[%select_n3A, %dma_wait3A_71] : memref<4x16xf32, #tpu.memory_space<hbm>> -> memref<1x16xf32, #tpu.memory_space<hbm>>
      %dma_wait3A_73 = tpu.memref_squeeze %dma_wait3A_72 : memref<1x16xf32, #tpu.memory_space<hbm>> -> memref<16xf32, #tpu.memory_space<hbm>>
      %dma_wait3A_74 = arith.constant 0 : i32
      %dma_wait3A_75 = tpu.memref_slice %arg4[%select_n3A, %dma_wait3A_74] : memref<4x16xf32, #tpu.memory_space<hbm>> -> memref<1x16xf32, #tpu.memory_space<hbm>>
      %dma_wait3A_76 = tpu.memref_squeeze %dma_wait3A_75 : memref<1x16xf32, #tpu.memory_space<hbm>> -> memref<16xf32, #tpu.memory_space<hbm>>
      tpu.wait_dma2 semaphore(%run_scoped3A_64 : memref<!tpu.dma_semaphore, #tpu.memory_space<semaphore_mem>>) src(%dma_wait3A_76 : memref<16xf32, #tpu.memory_space<hbm>>) dst(%arg13 : memref<16xf32, #tpu.memory_space<vmem>>)
      tpu.yield
    }) : () -> ()
    %run_scoped3A = arith.constant 0 : i32
    "tpu.region"() ({
      %run_scoped3A_64 = tpu.sem_alloc : memref<!tpu.dma_semaphore, #tpu.memory_space<semaphore_mem>>
      %dma_start3A_65 = arith.constant 0 : i32
      %dma_start3A_66 = tpu.memref_slice %arg5[%run_scoped3A, %dma_start3A_65] : memref<1x16xf32, #tpu.memory_space<hbm>> -> memref<1x16xf32, #tpu.memory_space<hbm>>
      %dma_start3A_67 = tpu.memref_squeeze %dma_start3A_66 : memref<1x16xf32, #tpu.memory_space<hbm>> -> memref<16xf32, #tpu.memory_space<hbm>>
      %dma_start3A_68 = arith.constant 0 : i32
      %dma_start3A_69 = tpu.memref_slice %arg5[%run_scoped3A, %dma_start3A_68] : memref<1x16xf32, #tpu.memory_space<hbm>> -> memref<1x16xf32, #tpu.memory_space<hbm>>
      %dma_start3A_70 = tpu.memref_squeeze %dma_start3A_69 : memref<1x16xf32, #tpu.memory_space<hbm>> -> memref<16xf32, #tpu.memory_space<hbm>>
      tpu.enqueue_dma source(%dma_start3A_70 : memref<16xf32, #tpu.memory_space<hbm>>) target(%arg14 : memref<16xf32, #tpu.memory_space<vmem>>) target_semaphore(%run_scoped3A_64 : memref<!tpu.dma_semaphore, #tpu.memory_space<semaphore_mem>>)
      %dma_wait3A_71 = arith.constant 0 : i32
      %dma_wait3A_72 = tpu.memref_slice %arg5[%run_scoped3A, %dma_wait3A_71] : memref<1x16xf32, #tpu.memory_space<hbm>> -> memref<1x16xf32, #tpu.memory_space<hbm>>
      %dma_wait3A_73 = tpu.memref_squeeze %dma_wait3A_72 : memref<1x16xf32, #tpu.memory_space<hbm>> -> memref<16xf32, #tpu.memory_space<hbm>>
      %dma_wait3A_74 = arith.constant 0 : i32
      %dma_wait3A_75 = tpu.memref_slice %arg5[%run_scoped3A, %dma_wait3A_74] : memref<1x16xf32, #tpu.memory_space<hbm>> -> memref<1x16xf32, #tpu.memory_space<hbm>>
      %dma_wait3A_76 = tpu.memref_squeeze %dma_wait3A_75 : memref<1x16xf32, #tpu.memory_space<hbm>> -> memref<16xf32, #tpu.memory_space<hbm>>
      tpu.wait_dma2 semaphore(%run_scoped3A_64 : memref<!tpu.dma_semaphore, #tpu.memory_space<semaphore_mem>>) src(%dma_wait3A_76 : memref<16xf32, #tpu.memory_space<hbm>>) dst(%arg14 : memref<16xf32, #tpu.memory_space<vmem>>)
      tpu.yield
    }) : () -> ()
    %dma_wait3A = arith.constant 0 : i32
    %dma_wait3A_34 = arith.constant 0 : i32
    %dma_wait3A_35 = tpu.memref_slice %arg11[%dma_wait3A, %dma_wait3A_34] : memref<256x16xf32, #tpu.memory_space<vmem>> -> memref<128x16xf32, #tpu.memory_space<vmem>>
    %dma_wait3A_36 = arith.constant 0 : i32
    %dma_wait3A_37 = tpu.memref_slice %arg8[%dma_wait3A_36] : memref<256xi32, #tpu.memory_space<vmem>> -> memref<128xi32, #tpu.memory_space<vmem>>
    %dma_wait3A_38 = arith.constant 0 : i32
    %dma_wait3A_39 = arith.constant 0 : i32
    %dma_wait3A_40 = tpu.memref_slice %arg3[%dma_wait3A_38, %dma_wait3A_39] : memref<8192x16xf32, #tpu.memory_space<hbm>> -> memref<8192x16xf32, #tpu.memory_space<hbm>>
    tpu.wait_indirect_dma semaphore(%arg15 : memref<!tpu.dma_semaphore, #tpu.memory_space<semaphore_mem>>) src(%dma_wait3A_40 : memref<8192x16xf32, #tpu.memory_space<hbm>>) dst(%dma_wait3A_35 : memref<128x16xf32, #tpu.memory_space<vmem>>)
    %dma_wait3A_41 = arith.constant 128 : i32
    %dma_wait3A_42 = arith.constant 0 : i32
    %dma_wait3A_43 = tpu.memref_slice %arg11[%dma_wait3A_41, %dma_wait3A_42] : memref<256x16xf32, #tpu.memory_space<vmem>> -> memref<128x16xf32, #tpu.memory_space<vmem>>
    %dma_wait3A_44 = arith.constant 128 : i32
    %dma_wait3A_45 = tpu.memref_slice %arg8[%dma_wait3A_44] : memref<256xi32, #tpu.memory_space<vmem>> -> memref<128xi32, #tpu.memory_space<vmem>>
    %dma_wait3A_46 = arith.constant 0 : i32
    %dma_wait3A_47 = arith.constant 0 : i32
    %dma_wait3A_48 = tpu.memref_slice %arg3[%dma_wait3A_46, %dma_wait3A_47] : memref<8192x16xf32, #tpu.memory_space<hbm>> -> memref<8192x16xf32, #tpu.memory_space<hbm>>
    tpu.wait_indirect_dma semaphore(%arg15 : memref<!tpu.dma_semaphore, #tpu.memory_space<semaphore_mem>>) src(%dma_wait3A_48 : memref<8192x16xf32, #tpu.memory_space<hbm>>) dst(%dma_wait3A_43 : memref<128x16xf32, #tpu.memory_space<vmem>>)
    %get3A = arith.constant 0 : index
    %get3A_49 = tpu.vector_load %arg13[%get3A] {strides = array<i32>} : memref<16xf32, #tpu.memory_space<vmem>>, vector<16xf32>,
    %get3A_50 = vector.shape_cast %get3A_49 : vector<16xf32> to vector<16xf32>
    %get3A_51 = arith.constant 0 : index
    %get3A_52 = tpu.vector_load %arg14[%get3A_51] {strides = array<i32>} : memref<16xf32, #tpu.memory_space<vmem>>, vector<16xf32>,
    %get3A_53 = vector.shape_cast %get3A_52 : vector<16xf32> to vector<16xf32>
    %gt3A = arith.constant 0.000000e+00 : f32
    %gt3A_54 = vector.broadcast %gt3A : f32 to vector<16xf32>
    %gt3A_55 = arith.cmpf ogt, %get3A_53, %gt3A_54 : vector<16xf32>
    %sub3A_56 = arith.constant 1.000000e+00 : f32
    %sub3A_57 = vector.broadcast %sub3A_56 : f32 to vector<16xf32>
    %sub3A_58 = arith.subf %sub3A_57, %get3A_50 : vector<16xf32>
    %scan3A = arith.constant 0 : i32
    %scan3A_59 = arith.constant 0 : i32
    %scan3A_60 = arith.constant 64 : i32
    %scan3A_61 = arith.addi %scan3A_59, %scan3A_60 : i32
    %scan3A_62 = arith.constant 1 : i32
    scf.for %scan3A_64 = %scan3A_59 to %scan3A_61 step %scan3A_62  : i32 {
      %mul3A_65 = arith.constant 4 : i32
      %mul3A_66 = arith.muli %scan3A_64, %mul3A_65 : i32
      %add3A_67 = arith.constant 0 : i32
      %add3A_68 = arith.addi %mul3A_66, %add3A_67 : i32
      %get3A_69 = arith.index_cast %add3A_68 : i32 to index
      %get3A_70 = arith.constant 0 : index
      %get3A_71 = tpu.vector_load %arg10[%get3A_69, %get3A_70] {strides = array<i32>} : memref<256x16xf32, #tpu.memory_space<vmem>>, vector<1x16xf32>,
      %get3A_72 = vector.shape_cast %get3A_71 : vector<1x16xf32> to vector<16xf32>
      %get3A_73 = arith.index_cast %add3A_68 : i32 to index
      %get3A_74 = arith.constant 0 : index
      %get3A_75 = tpu.vector_load %arg9[%get3A_73, %get3A_74] {strides = array<i32>} : memref<256x16xf32, #tpu.memory_space<vmem>>, vector<1x16xf32>,
      %get3A_76 = vector.shape_cast %get3A_75 : vector<1x16xf32> to vector<16xf32>
      %select_n3A_77 = arith.select %gt3A_55, %get3A_72, %get3A_76 : vector<16xi1>, vector<16xf32>
      %mul3A_78 = arith.mulf %get3A_50, %get3A_72 : vector<16xf32>
      %mul3A_79 = arith.mulf %sub3A_58, %select_n3A_77 : vector<16xf32>
      %add3A_80 = arith.addf %mul3A_78, %mul3A_79 : vector<16xf32>
      %select_n3A_81 = arith.select %gt3A_55, %get3A_72, %add3A_80 : vector<16xi1>, vector<16xf32>
      %swap3A = arith.index_cast %add3A_68 : i32 to index
      %swap3A_82 = arith.constant 0 : index
      %swap3A_83 = tpu.vector_load %arg12[%swap3A, %swap3A_82] {strides = array<i32>} : memref<256x48xf32, #tpu.memory_space<vmem>>, vector<1x16xf32>,
      %swap3A_84 = vector.shape_cast %swap3A_83 : vector<1x16xf32> to vector<16xf32>
      %swap3A_85 = vector.shape_cast %select_n3A_81 : vector<16xf32> to vector<1x16xf32>
      tpu.vector_store %arg12[%swap3A, %swap3A_82], %swap3A_85 {strides = array<i32>} : memref<256x48xf32, #tpu.memory_space<vmem>>, vector<1x16xf32>,
      %sub3A_86 = arith.subf %get3A_72, %select_n3A_77 : vector<16xf32>
      %swap3A_87 = arith.index_cast %add3A_68 : i32 to index
      %swap3A_88 = arith.constant 16 : index
      %swap3A_89 = tpu.vector_load %arg12[%swap3A_87, %swap3A_88] {strides = array<i32>} : memref<256x48xf32, #tpu.memory_space<vmem>>, vector<1x16xf32>,
      %swap3A_90 = vector.shape_cast %swap3A_89 : vector<1x16xf32> to vector<16xf32>
      %swap3A_91 = vector.shape_cast %sub3A_86 : vector<16xf32> to vector<1x16xf32>
      tpu.vector_store %arg12[%swap3A_87, %swap3A_88], %swap3A_91 {strides = array<i32>} : memref<256x48xf32, #tpu.memory_space<vmem>>, vector<1x16xf32>,
      %get3A_92 = arith.index_cast %add3A_68 : i32 to index
      %get3A_93 = arith.constant 0 : index
      %get3A_94 = tpu.vector_load %arg11[%get3A_92, %get3A_93] {strides = array<i32>} : memref<256x16xf32, #tpu.memory_space<vmem>>, vector<1x16xf32>,
      %get3A_95 = vector.shape_cast %get3A_94 : vector<1x16xf32> to vector<16xf32>
      %swap3A_96 = arith.index_cast %add3A_68 : i32 to index
      %swap3A_97 = arith.constant 32 : index
      %swap3A_98 = tpu.vector_load %arg12[%swap3A_96, %swap3A_97] {strides = array<i32>} : memref<256x48xf32, #tpu.memory_space<vmem>>, vector<1x16xf32>,
      %swap3A_99 = vector.shape_cast %swap3A_98 : vector<1x16xf32> to vector<16xf32>
      %swap3A_100 = vector.shape_cast %get3A_95 : vector<16xf32> to vector<1x16xf32>
      tpu.vector_store %arg12[%swap3A_96, %swap3A_97], %swap3A_100 {strides = array<i32>} : memref<256x48xf32, #tpu.memory_space<vmem>>, vector<1x16xf32>,
      %mul3A_101 = arith.constant 4 : i32
      %mul3A_102 = arith.muli %scan3A_64, %mul3A_101 : i32
      %add3A_103 = arith.constant 1 : i32
      %add3A_104 = arith.addi %mul3A_102, %add3A_103 : i32
      %get3A_105 = arith.index_cast %add3A_104 : i32 to index
      %get3A_106 = arith.constant 0 : index
      %get3A_107 = tpu.vector_load %arg10[%get3A_105, %get3A_106] {strides = array<i32>} : memref<256x16xf32, #tpu.memory_space<vmem>>, vector<1x16xf32>,
      %get3A_108 = vector.shape_cast %get3A_107 : vector<1x16xf32> to vector<16xf32>
      %get3A_109 = arith.index_cast %add3A_104 : i32 to index
      %get3A_110 = arith.constant 0 : index
      %get3A_111 = tpu.vector_load %arg9[%get3A_109, %get3A_110] {strides = array<i32>} : memref<256x16xf32, #tpu.memory_space<vmem>>, vector<1x16xf32>,
      %get3A_112 = vector.shape_cast %get3A_111 : vector<1x16xf32> to vector<16xf32>
      %select_n3A_113 = arith.select %gt3A_55, %get3A_108, %get3A_112 : vector<16xi1>, vector<16xf32>
      %mul3A_114 = arith.mulf %get3A_50, %get3A_108 : vector<16xf32>
      %mul3A_115 = arith.mulf %sub3A_58, %select_n3A_113 : vector<16xf32>
      %add3A_116 = arith.addf %mul3A_114, %mul3A_115 : vector<16xf32>
      %select_n3A_117 = arith.select %gt3A_55, %get3A_108, %add3A_116 : vector<16xi1>, vector<16xf32>
      %swap3A_118 = arith.index_cast %add3A_104 : i32 to index
      %swap3A_119 = arith.constant 0 : index
      %swap3A_120 = tpu.vector_load %arg12[%swap3A_118, %swap3A_119] {strides = array<i32>} : memref<256x48xf32, #tpu.memory_space<vmem>>, vector<1x16xf32>,
      %swap3A_121 = vector.shape_cast %swap3A_120 : vector<1x16xf32> to vector<16xf32>
      %swap3A_122 = vector.shape_cast %select_n3A_117 : vector<16xf32> to vector<1x16xf32>
      tpu.vector_store %arg12[%swap3A_118, %swap3A_119], %swap3A_122 {strides = array<i32>} : memref<256x48xf32, #tpu.memory_space<vmem>>, vector<1x16xf32>,
      %sub3A_123 = arith.subf %get3A_108, %select_n3A_113 : vector<16xf32>
      %swap3A_124 = arith.index_cast %add3A_104 : i32 to index
      %swap3A_125 = arith.constant 16 : index
      %swap3A_126 = tpu.vector_load %arg12[%swap3A_124, %swap3A_125] {strides = array<i32>} : memref<256x48xf32, #tpu.memory_space<vmem>>, vector<1x16xf32>,
      %swap3A_127 = vector.shape_cast %swap3A_126 : vector<1x16xf32> to vector<16xf32>
      %swap3A_128 = vector.shape_cast %sub3A_123 : vector<16xf32> to vector<1x16xf32>
      tpu.vector_store %arg12[%swap3A_124, %swap3A_125], %swap3A_128 {strides = array<i32>} : memref<256x48xf32, #tpu.memory_space<vmem>>, vector<1x16xf32>,
      %get3A_129 = arith.index_cast %add3A_104 : i32 to index
      %get3A_130 = arith.constant 0 : index
      %get3A_131 = tpu.vector_load %arg11[%get3A_129, %get3A_130] {strides = array<i32>} : memref<256x16xf32, #tpu.memory_space<vmem>>, vector<1x16xf32>,
      %get3A_132 = vector.shape_cast %get3A_131 : vector<1x16xf32> to vector<16xf32>
      %swap3A_133 = arith.index_cast %add3A_104 : i32 to index
      %swap3A_134 = arith.constant 32 : index
      %swap3A_135 = tpu.vector_load %arg12[%swap3A_133, %swap3A_134] {strides = array<i32>} : memref<256x48xf32, #tpu.memory_space<vmem>>, vector<1x16xf32>,
      %swap3A_136 = vector.shape_cast %swap3A_135 : vector<1x16xf32> to vector<16xf32>
      %swap3A_137 = vector.shape_cast %get3A_132 : vector<16xf32> to vector<1x16xf32>
      tpu.vector_store %arg12[%swap3A_133, %swap3A_134], %swap3A_137 {strides = array<i32>} : memref<256x48xf32, #tpu.memory_space<vmem>>, vector<1x16xf32>,
      %mul3A_138 = arith.constant 4 : i32
      %mul3A_139 = arith.muli %scan3A_64, %mul3A_138 : i32
      %add3A_140 = arith.constant 2 : i32
      %add3A_141 = arith.addi %mul3A_139, %add3A_140 : i32
      %get3A_142 = arith.index_cast %add3A_141 : i32 to index
      %get3A_143 = arith.constant 0 : index
      %get3A_144 = tpu.vector_load %arg10[%get3A_142, %get3A_143] {strides = array<i32>} : memref<256x16xf32, #tpu.memory_space<vmem>>, vector<1x16xf32>,
      %get3A_145 = vector.shape_cast %get3A_144 : vector<1x16xf32> to vector<16xf32>
      %get3A_146 = arith.index_cast %add3A_141 : i32 to index
      %get3A_147 = arith.constant 0 : index
      %get3A_148 = tpu.vector_load %arg9[%get3A_146, %get3A_147] {strides = array<i32>} : memref<256x16xf32, #tpu.memory_space<vmem>>, vector<1x16xf32>,
      %get3A_149 = vector.shape_cast %get3A_148 : vector<1x16xf32> to vector<16xf32>
      %select_n3A_150 = arith.select %gt3A_55, %get3A_145, %get3A_149 : vector<16xi1>, vector<16xf32>
      %mul3A_151 = arith.mulf %get3A_50, %get3A_145 : vector<16xf32>
      %mul3A_152 = arith.mulf %sub3A_58, %select_n3A_150 : vector<16xf32>
      %add3A_153 = arith.addf %mul3A_151, %mul3A_152 : vector<16xf32>
      %select_n3A_154 = arith.select %gt3A_55, %get3A_145, %add3A_153 : vector<16xi1>, vector<16xf32>
      %swap3A_155 = arith.index_cast %add3A_141 : i32 to index
      %swap3A_156 = arith.constant 0 : index
      %swap3A_157 = tpu.vector_load %arg12[%swap3A_155, %swap3A_156] {strides = array<i32>} : memref<256x48xf32, #tpu.memory_space<vmem>>, vector<1x16xf32>,
      %swap3A_158 = vector.shape_cast %swap3A_157 : vector<1x16xf32> to vector<16xf32>
      %swap3A_159 = vector.shape_cast %select_n3A_154 : vector<16xf32> to vector<1x16xf32>
      tpu.vector_store %arg12[%swap3A_155, %swap3A_156], %swap3A_159 {strides = array<i32>} : memref<256x48xf32, #tpu.memory_space<vmem>>, vector<1x16xf32>,
      %sub3A_160 = arith.subf %get3A_145, %select_n3A_150 : vector<16xf32>
      %swap3A_161 = arith.index_cast %add3A_141 : i32 to index
      %swap3A_162 = arith.constant 16 : index
      %swap3A_163 = tpu.vector_load %arg12[%swap3A_161, %swap3A_162] {strides = array<i32>} : memref<256x48xf32, #tpu.memory_space<vmem>>, vector<1x16xf32>,
      %swap3A_164 = vector.shape_cast %swap3A_163 : vector<1x16xf32> to vector<16xf32>
      %swap3A_165 = vector.shape_cast %sub3A_160 : vector<16xf32> to vector<1x16xf32>
      tpu.vector_store %arg12[%swap3A_161, %swap3A_162], %swap3A_165 {strides = array<i32>} : memref<256x48xf32, #tpu.memory_space<vmem>>, vector<1x16xf32>,
      %get3A_166 = arith.index_cast %add3A_141 : i32 to index
      %get3A_167 = arith.constant 0 : index
      %get3A_168 = tpu.vector_load %arg11[%get3A_166, %get3A_167] {strides = array<i32>} : memref<256x16xf32, #tpu.memory_space<vmem>>, vector<1x16xf32>,
      %get3A_169 = vector.shape_cast %get3A_168 : vector<1x16xf32> to vector<16xf32>
      %swap3A_170 = arith.index_cast %add3A_141 : i32 to index
      %swap3A_171 = arith.constant 32 : index
      %swap3A_172 = tpu.vector_load %arg12[%swap3A_170, %swap3A_171] {strides = array<i32>} : memref<256x48xf32, #tpu.memory_space<vmem>>, vector<1x16xf32>,
      %swap3A_173 = vector.shape_cast %swap3A_172 : vector<1x16xf32> to vector<16xf32>
      %swap3A_174 = vector.shape_cast %get3A_169 : vector<16xf32> to vector<1x16xf32>
      tpu.vector_store %arg12[%swap3A_170, %swap3A_171], %swap3A_174 {strides = array<i32>} : memref<256x48xf32, #tpu.memory_space<vmem>>, vector<1x16xf32>,
      %mul3A_175 = arith.constant 4 : i32
      %mul3A_176 = arith.muli %scan3A_64, %mul3A_175 : i32
      %add3A_177 = arith.constant 3 : i32
      %add3A_178 = arith.addi %mul3A_176, %add3A_177 : i32
      %get3A_179 = arith.index_cast %add3A_178 : i32 to index
      %get3A_180 = arith.constant 0 : index
      %get3A_181 = tpu.vector_load %arg10[%get3A_179, %get3A_180] {strides = array<i32>} : memref<256x16xf32, #tpu.memory_space<vmem>>, vector<1x16xf32>,
      %get3A_182 = vector.shape_cast %get3A_181 : vector<1x16xf32> to vector<16xf32>
      %get3A_183 = arith.index_cast %add3A_178 : i32 to index
      %get3A_184 = arith.constant 0 : index
      %get3A_185 = tpu.vector_load %arg9[%get3A_183, %get3A_184] {strides = array<i32>} : memref<256x16xf32, #tpu.memory_space<vmem>>, vector<1x16xf32>,
      %get3A_186 = vector.shape_cast %get3A_185 : vector<1x16xf32> to vector<16xf32>
      %select_n3A_187 = arith.select %gt3A_55, %get3A_182, %get3A_186 : vector<16xi1>, vector<16xf32>
      %mul3A_188 = arith.mulf %get3A_50, %get3A_182 : vector<16xf32>
      %mul3A_189 = arith.mulf %sub3A_58, %select_n3A_187 : vector<16xf32>
      %add3A_190 = arith.addf %mul3A_188, %mul3A_189 : vector<16xf32>
      %select_n3A_191 = arith.select %gt3A_55, %get3A_182, %add3A_190 : vector<16xi1>, vector<16xf32>
      %swap3A_192 = arith.index_cast %add3A_178 : i32 to index
      %swap3A_193 = arith.constant 0 : index
      %swap3A_194 = tpu.vector_load %arg12[%swap3A_192, %swap3A_193] {strides = array<i32>} : memref<256x48xf32, #tpu.memory_space<vmem>>, vector<1x16xf32>,
      %swap3A_195 = vector.shape_cast %swap3A_194 : vector<1x16xf32> to vector<16xf32>
      %swap3A_196 = vector.shape_cast %select_n3A_191 : vector<16xf32> to vector<1x16xf32>
      tpu.vector_store %arg12[%swap3A_192, %swap3A_193], %swap3A_196 {strides = array<i32>} : memref<256x48xf32, #tpu.memory_space<vmem>>, vector<1x16xf32>,
      %sub3A_197 = arith.subf %get3A_182, %select_n3A_187 : vector<16xf32>
      %swap3A_198 = arith.index_cast %add3A_178 : i32 to index
      %swap3A_199 = arith.constant 16 : index
      %swap3A_200 = tpu.vector_load %arg12[%swap3A_198, %swap3A_199] {strides = array<i32>} : memref<256x48xf32, #tpu.memory_space<vmem>>, vector<1x16xf32>,
      %swap3A_201 = vector.shape_cast %swap3A_200 : vector<1x16xf32> to vector<16xf32>
      %swap3A_202 = vector.shape_cast %sub3A_197 : vector<16xf32> to vector<1x16xf32>
      tpu.vector_store %arg12[%swap3A_198, %swap3A_199], %swap3A_202 {strides = array<i32>} : memref<256x48xf32, #tpu.memory_space<vmem>>, vector<1x16xf32>,
      %get3A_203 = arith.index_cast %add3A_178 : i32 to index
      %get3A_204 = arith.constant 0 : index
      %get3A_205 = tpu.vector_load %arg11[%get3A_203, %get3A_204] {strides = array<i32>} : memref<256x16xf32, #tpu.memory_space<vmem>>, vector<1x16xf32>,
      %get3A_206 = vector.shape_cast %get3A_205 : vector<1x16xf32> to vector<16xf32>
      %swap3A_207 = arith.index_cast %add3A_178 : i32 to index
      %swap3A_208 = arith.constant 32 : index
      %swap3A_209 = tpu.vector_load %arg12[%swap3A_207, %swap3A_208] {strides = array<i32>} : memref<256x48xf32, #tpu.memory_space<vmem>>, vector<1x16xf32>,
      %swap3A_210 = vector.shape_cast %swap3A_209 : vector<1x16xf32> to vector<16xf32>
      %swap3A_211 = vector.shape_cast %get3A_206 : vector<16xf32> to vector<1x16xf32>
      tpu.vector_store %arg12[%swap3A_207, %swap3A_208], %swap3A_211 {strides = array<i32>} : memref<256x48xf32, #tpu.memory_space<vmem>>, vector<1x16xf32>,
    }
    %scan3A_63 = arith.constant 64 : i32
    "tpu.region"() ({
      %run_scoped3A_64 = tpu.sem_alloc : memref<!tpu.dma_semaphore, #tpu.memory_space<semaphore_mem>>
      %dma_start3A_65 = arith.constant 0 : i32
      %dma_start3A_66 = tpu.memref_slice %arg7[%mul3A_2, %dma_start3A_65] : memref<8192x48xf32, #tpu.memory_space<hbm>> -> memref<256x48xf32, #tpu.memory_space<hbm>>
      %dma_start3A_67 = arith.constant 0 : i32
      %dma_start3A_68 = tpu.memref_slice %arg7[%mul3A_2, %dma_start3A_67] : memref<8192x48xf32, #tpu.memory_space<hbm>> -> memref<256x48xf32, #tpu.memory_space<hbm>>
      tpu.enqueue_dma source(%arg12 : memref<256x48xf32, #tpu.memory_space<vmem>>) target(%dma_start3A_68 : memref<256x48xf32, #tpu.memory_space<hbm>>) target_semaphore(%run_scoped3A_64 : memref<!tpu.dma_semaphore, #tpu.memory_space<semaphore_mem>>)
      %dma_wait3A_69 = arith.constant 0 : i32
      %dma_wait3A_70 = tpu.memref_slice %arg7[%mul3A_2, %dma_wait3A_69] : memref<8192x48xf32, #tpu.memory_space<hbm>> -> memref<256x48xf32, #tpu.memory_space<hbm>>
      %dma_wait3A_71 = arith.constant 0 : i32
      %dma_wait3A_72 = tpu.memref_slice %arg7[%mul3A_2, %dma_wait3A_71] : memref<8192x48xf32, #tpu.memory_space<hbm>> -> memref<256x48xf32, #tpu.memory_space<hbm>>
      tpu.wait_dma2 semaphore(%run_scoped3A_64 : memref<!tpu.dma_semaphore, #tpu.memory_space<semaphore_mem>>) src(%arg12 : memref<256x48xf32, #tpu.memory_space<vmem>>) dst(%dma_wait3A_72 : memref<256x48xf32, #tpu.memory_space<hbm>>)
      tpu.yield
    }) : () -> ()
    return
  }
}

module attributes {stable_mosaic.version = 14 : i64} {
  func.func @_fm_kernel(%arg0: i32, %arg1: memref<1x16xf32, #tpu.memory_space<vmem>>, %arg2: memref<1x2048x16xf32, #tpu.memory_space<vmem>>, %arg3: memref<1x2048x16xf32, #tpu.memory_space<vmem>>, %arg4: memref<1x1x2048xi32, #tpu.memory_space<vmem>>) attributes {dimension_semantics = [#tpu.dimension_semantics<arbitrary>], iteration_bounds = array<i64: 4>, scalar_prefetch = 0 : i64, scratch_operands = 0 : i64, tpu.core_type = #tpu.core_type<tc>, window_params = [{pipeline_mode = #tpu.pipeline_mode<synchronous>, transform_indices = @transform_0, window_bounds = array<i64: 1, 16>}, {transform_indices = @transform_1, window_bounds = array<i64: 1, 2048, 16>}, {transform_indices = @transform_2, window_bounds = array<i64: 1, 2048, 16>}, {transform_indices = @transform_3, window_bounds = array<i64: 1, 1, 2048>}]} {
    %get3A = arith.constant 0 : index
    %get3A_0 = arith.constant 0 : index
    %get3A_1 = vector.load %arg1[%get3A, %get3A_0] : memref<1x16xf32, #tpu.memory_space<vmem>>, vector<1x16xf32>
    %get3A_2 = vector.shape_cast %get3A_1 : vector<1x16xf32> to vector<16xf32>
    %gt3A = arith.constant 0.000000e+00 : f32
    %gt3A_3 = vector.broadcast %gt3A : f32 to vector<16xf32>
    %gt3A_4 = arith.cmpf ogt, %get3A_2, %gt3A_3 : vector<16xf32>
    %get3A_5 = arith.constant 0 : index
    %get3A_6 = arith.constant 0 : index
    %get3A_7 = arith.constant 0 : index
    %get3A_8 = vector.load %arg2[%get3A_5, %get3A_6, %get3A_7] : memref<1x2048x16xf32, #tpu.memory_space<vmem>>, vector<1x2048x16xf32>
    %get3A_9 = vector.shape_cast %get3A_8 : vector<1x2048x16xf32> to vector<2048x16xf32>
    %get3A_10 = arith.constant 0 : index
    %get3A_11 = arith.constant 0 : index
    %get3A_12 = arith.constant 0 : index
    %get3A_13 = vector.load %arg3[%get3A_10, %get3A_11, %get3A_12] : memref<1x2048x16xf32, #tpu.memory_space<vmem>>, vector<1x2048x16xf32>
    %get3A_14 = vector.shape_cast %get3A_13 : vector<1x2048x16xf32> to vector<2048x16xf32>
    %broadcast_in_dim3A = vector.shape_cast %gt3A_4 : vector<16xi1> to vector<1x16xi1>
    %broadcast_in_dim3A_15 = vector.broadcast %broadcast_in_dim3A : vector<1x16xi1> to vector<2048x16xi1>
    %select_n3A = arith.select %broadcast_in_dim3A_15, %get3A_9, %get3A_14 : vector<2048x16xi1>, vector<2048x16xf32>
    %convert_element_type3A = arith.truncf %get3A_9 : vector<2048x16xf32> to vector<2048x16xbf16>
    %convert_element_type3A_16 = arith.extf %convert_element_type3A : vector<2048x16xbf16> to vector<2048x16xf32>
    %sub3A = arith.subf %get3A_9, %convert_element_type3A_16 : vector<2048x16xf32>
    %convert_element_type3A_17 = arith.truncf %sub3A : vector<2048x16xf32> to vector<2048x16xbf16>
    %convert_element_type3A_18 = arith.extf %convert_element_type3A_17 : vector<2048x16xbf16> to vector<2048x16xf32>
    %sub3A_19 = arith.subf %sub3A, %convert_element_type3A_18 : vector<2048x16xf32>
    %convert_element_type3A_20 = arith.truncf %sub3A_19 : vector<2048x16xf32> to vector<2048x16xbf16>
    %convert_element_type3A_21 = arith.truncf %select_n3A : vector<2048x16xf32> to vector<2048x16xbf16>
    %convert_element_type3A_22 = arith.extf %convert_element_type3A_21 : vector<2048x16xbf16> to vector<2048x16xf32>
    %sub3A_23 = arith.subf %select_n3A, %convert_element_type3A_22 : vector<2048x16xf32>
    %convert_element_type3A_24 = arith.truncf %sub3A_23 : vector<2048x16xf32> to vector<2048x16xbf16>
    %convert_element_type3A_25 = arith.extf %convert_element_type3A_24 : vector<2048x16xbf16> to vector<2048x16xf32>
    %sub3A_26 = arith.subf %sub3A_23, %convert_element_type3A_25 : vector<2048x16xf32>
    %convert_element_type3A_27 = arith.truncf %sub3A_26 : vector<2048x16xf32> to vector<2048x16xbf16>
    %mul3A = arith.mulf %get3A_9, %get3A_9 : vector<2048x16xf32>
    %reduce_sum3A = arith.constant dense<0.000000e+00> : vector<2048xf32>
    %reduce_sum3A_28 = vector.multi_reduction <add>, %mul3A, %reduce_sum3A [1] : vector<2048x16xf32> to vector<2048xf32>
    %broadcast_in_dim3A_29 = vector.shape_cast %reduce_sum3A_28 : vector<2048xf32> to vector<2048x1xf32>
    %mul3A_30 = arith.constant -5.000000e-01 : f32
    %mul3A_31 = vector.broadcast %mul3A_30 : f32 to vector<2048x1xf32>
    %mul3A_32 = arith.mulf %mul3A_31, %broadcast_in_dim3A_29 : vector<2048x1xf32>
    %convert_element_type3A_33 = arith.truncf %mul3A_32 : vector<2048x1xf32> to vector<2048x1xbf16>
    %convert_element_type3A_34 = arith.extf %convert_element_type3A_33 : vector<2048x1xbf16> to vector<2048x1xf32>
    %sub3A_35 = arith.subf %mul3A_32, %convert_element_type3A_34 : vector<2048x1xf32>
    %convert_element_type3A_36 = arith.truncf %sub3A_35 : vector<2048x1xf32> to vector<2048x1xbf16>
    %convert_element_type3A_37 = arith.extf %convert_element_type3A_36 : vector<2048x1xbf16> to vector<2048x1xf32>
    %sub3A_38 = arith.subf %sub3A_35, %convert_element_type3A_37 : vector<2048x1xf32>
    %convert_element_type3A_39 = arith.truncf %sub3A_38 : vector<2048x1xf32> to vector<2048x1xbf16>
    %broadcast_in_dim3A_40 = arith.constant 1.000000e+00 : bf16
    %broadcast_in_dim3A_41 = vector.broadcast %broadcast_in_dim3A_40 : bf16 to vector<2048x3xbf16>
    %concatenate3A = tpu.concatenate %convert_element_type3A_21, %convert_element_type3A_24, %convert_element_type3A_27, %convert_element_type3A_21, %convert_element_type3A_24, %convert_element_type3A_21, %broadcast_in_dim3A_41 in 1 : vector<2048x16xbf16>, vector<2048x16xbf16>, vector<2048x16xbf16>, vector<2048x16xbf16>, vector<2048x16xbf16>, vector<2048x16xbf16>, vector<2048x3xbf16> -> vector<2048x99xbf16>
    %concatenate3A_42 = tpu.concatenate %convert_element_type3A, %convert_element_type3A, %convert_element_type3A, %convert_element_type3A_17, %convert_element_type3A_17, %convert_element_type3A_20, %convert_element_type3A_33, %convert_element_type3A_36, %convert_element_type3A_39 in 1 : vector<2048x16xbf16>, vector<2048x16xbf16>, vector<2048x16xbf16>, vector<2048x16xbf16>, vector<2048x16xbf16>, vector<2048x16xbf16>, vector<2048x1xbf16>, vector<2048x1xbf16>, vector<2048x1xbf16> -> vector<2048x99xbf16>
    %iota3A = tpu.iota {dimensions = array<i32: 1>} : vector<2048x512xi32>
    %slice3A = vector.extract_strided_slice %concatenate3A_42 {offsets = [0, 0], sizes = [512, 99], strides = [1, 1]} : vector<2048x99xbf16> to vector<512x99xbf16>
    %dot_general3A = arith.constant dense<0.000000e+00> : vector<2048x512xf32>
    %dot_general3A_43 = tpu.matmul %concatenate3A, %slice3A, %dot_general3A {dimension_numbers = #tpu.dot_dimension_numbers<[1], [1], [0], [0], [0, 0, 1, 0], [], []>, transpose_lhs_hint = false} : vector<2048x99xbf16>, vector<512x99xbf16>, vector<2048x512xf32> -> vector<2048x512xf32>
    %slice3A_44 = vector.extract_strided_slice %concatenate3A_42 {offsets = [512, 0], sizes = [512, 99], strides = [1, 1]} : vector<2048x99xbf16> to vector<512x99xbf16>
    %dot_general3A_45 = arith.constant dense<0.000000e+00> : vector<2048x512xf32>
    %dot_general3A_46 = tpu.matmul %concatenate3A, %slice3A_44, %dot_general3A_45 {dimension_numbers = #tpu.dot_dimension_numbers<[1], [1], [0], [0], [0, 0, 1, 0], [], []>, transpose_lhs_hint = false} : vector<2048x99xbf16>, vector<512x99xbf16>, vector<2048x512xf32> -> vector<2048x512xf32>
    %gt3A_47 = arith.cmpf ogt, %dot_general3A_46, %dot_general3A_43 : vector<2048x512xf32>
    %select_n3A_48 = arith.select %gt3A_47, %dot_general3A_46, %dot_general3A_43 : vector<2048x512xi1>, vector<2048x512xf32>
    %add3A = arith.constant 512 : i32
    %add3A_49 = vector.broadcast %add3A : i32 to vector<2048x512xi32>
    %add3A_50 = arith.addi %iota3A, %add3A_49 : vector<2048x512xi32>
    %select_n3A_51 = arith.select %gt3A_47, %add3A_50, %iota3A : vector<2048x512xi1>, vector<2048x512xi32>
    %slice3A_52 = vector.extract_strided_slice %concatenate3A_42 {offsets = [1024, 0], sizes = [512, 99], strides = [1, 1]} : vector<2048x99xbf16> to vector<512x99xbf16>
    %dot_general3A_53 = arith.constant dense<0.000000e+00> : vector<2048x512xf32>
    %dot_general3A_54 = tpu.matmul %concatenate3A, %slice3A_52, %dot_general3A_53 {dimension_numbers = #tpu.dot_dimension_numbers<[1], [1], [0], [0], [0, 0, 1, 0], [], []>, transpose_lhs_hint = false} : vector<2048x99xbf16>, vector<512x99xbf16>, vector<2048x512xf32> -> vector<2048x512xf32>
    %gt3A_55 = arith.cmpf ogt, %dot_general3A_54, %select_n3A_48 : vector<2048x512xf32>
    %select_n3A_56 = arith.select %gt3A_55, %dot_general3A_54, %select_n3A_48 : vector<2048x512xi1>, vector<2048x512xf32>
    %add3A_57 = arith.constant 1024 : i32
    %add3A_58 = vector.broadcast %add3A_57 : i32 to vector<2048x512xi32>
    %add3A_59 = arith.addi %iota3A, %add3A_58 : vector<2048x512xi32>
    %select_n3A_60 = arith.select %gt3A_55, %add3A_59, %select_n3A_51 : vector<2048x512xi1>, vector<2048x512xi32>
    %slice3A_61 = vector.extract_strided_slice %concatenate3A_42 {offsets = [1536, 0], sizes = [512, 99], strides = [1, 1]} : vector<2048x99xbf16> to vector<512x99xbf16>
    %dot_general3A_62 = arith.constant dense<0.000000e+00> : vector<2048x512xf32>
    %dot_general3A_63 = tpu.matmul %concatenate3A, %slice3A_61, %dot_general3A_62 {dimension_numbers = #tpu.dot_dimension_numbers<[1], [1], [0], [0], [0, 0, 1, 0], [], []>, transpose_lhs_hint = false} : vector<2048x99xbf16>, vector<512x99xbf16>, vector<2048x512xf32> -> vector<2048x512xf32>
    %gt3A_64 = arith.cmpf ogt, %dot_general3A_63, %select_n3A_56 : vector<2048x512xf32>
    %select_n3A_65 = arith.select %gt3A_64, %dot_general3A_63, %select_n3A_56 : vector<2048x512xi1>, vector<2048x512xf32>
    %add3A_66 = arith.constant 1536 : i32
    %add3A_67 = vector.broadcast %add3A_66 : i32 to vector<2048x512xi32>
    %add3A_68 = arith.addi %iota3A, %add3A_67 : vector<2048x512xi32>
    %select_n3A_69 = arith.select %gt3A_64, %add3A_68, %select_n3A_60 : vector<2048x512xi1>, vector<2048x512xi32>
    %reduce_max3A = arith.constant dense<0xFF800000> : vector<2048xf32>
    %reduce_max3A_70 = vector.multi_reduction <maximumf>, %select_n3A_65, %reduce_max3A [1] : vector<2048x512xf32> to vector<2048xf32>
    %broadcast_in_dim3A_71 = vector.shape_cast %reduce_max3A_70 : vector<2048xf32> to vector<2048x1xf32>
    %eq3A = vector.broadcast %broadcast_in_dim3A_71 : vector<2048x1xf32> to vector<2048x512xf32>
    %eq3A_72 = arith.cmpf oeq, %select_n3A_65, %eq3A : vector<2048x512xf32>
    %jit3A = arith.constant 2048 : i32
    %broadcast_in_dim3A_73 = vector.broadcast %jit3A : i32 to vector<2048x512xi32>
    %select_n3A_74 = arith.select %eq3A_72, %select_n3A_69, %broadcast_in_dim3A_73 : vector<2048x512xi1>, vector<2048x512xi32>
    %reduce_min3A = arith.constant dense<2147483647> : vector<2048xi32>
    %reduce_min3A_75 = vector.multi_reduction <minsi>, %select_n3A_74, %reduce_min3A [1] : vector<2048x512xi32> to vector<2048xi32>
    %mul3A_76 = arith.constant 2048 : i32
    %mul3A_77 = arith.muli %arg0, %mul3A_76 : i32
    %add3A_78 = vector.broadcast %mul3A_77 : i32 to vector<2048xi32>
    %add3A_79 = arith.addi %reduce_min3A_75, %add3A_78 : vector<2048xi32>
    %swap3A = arith.constant 0 : index
    %swap3A_80 = arith.constant 0 : index
    %swap3A_81 = arith.constant 0 : index
    %swap3A_82 = vector.load %arg4[%swap3A, %swap3A_80, %swap3A_81] : memref<1x1x2048xi32, #tpu.memory_space<vmem>>, vector<1x1x2048xi32>
    %swap3A_83 = vector.shape_cast %swap3A_82 : vector<1x1x2048xi32> to vector<2048xi32>
    %swap3A_84 = vector.shape_cast %add3A_79 : vector<2048xi32> to vector<1x1x2048xi32>
    tpu.vector_store %arg4[%swap3A, %swap3A_80, %swap3A_81], %swap3A_84 {strides = array<i32>} : memref<1x1x2048xi32, #tpu.memory_space<vmem>>, vector<1x1x2048xi32>,
    return
  }
  func.func @transform_0(%arg0: i32) -> (i32, i32) {
    %c0_i32 = arith.constant 0 : i32
    %c0_i32_0 = arith.constant 0 : i32
    %c0_i32_1 = arith.constant 0 : i32
    return %c0_i32, %c0_i32_0 : i32, i32
  }
  func.func @transform_1(%arg0: i32) -> (i32, i32, i32) {
    %c0_i32 = arith.constant 0 : i32
    %c0_i32_0 = arith.constant 0 : i32
    %c0_i32_1 = arith.constant 0 : i32
    return %arg0, %c0_i32, %c0_i32_0 : i32, i32, i32
  }
  func.func @transform_2(%arg0: i32) -> (i32, i32, i32) {
    %c0_i32 = arith.constant 0 : i32
    %c0_i32_0 = arith.constant 0 : i32
    %c0_i32_1 = arith.constant 0 : i32
    return %arg0, %c0_i32, %c0_i32_0 : i32, i32, i32
  }
  func.func @transform_3(%arg0: i32) -> (i32, i32, i32) {
    %c0_i32 = arith.constant 0 : i32
    %c0_i32_0 = arith.constant 0 : i32
    %c0_i32_1 = arith.constant 0 : i32
    return %arg0, %c0_i32, %c0_i32_0 : i32, i32, i32
  }
}

</mosaic_0001>

<sc_bundles>
// kernel: kernel.4.cloned.1.call-start
scs
__scs_entry_jumppad:
0x0: {  	(pc) =	sbr.rel $0x88, $3  }
0x1: {  	(tag) =	ssettag $0x0;
	lr =	simm.s32 $0x1  }
0x2: {  	[smem:$0x3F9D] =	sst lr;
	_ =	strace $0xD0000000  }
0x3: {  	_ = 	snop  }
0x4: {  	_ = 	snop  }
0x5: {  	_ = 	snop  }
0x6: {  	_ = 	snop  }
0x7: {  	_ = 	snop  }
__scs_overlays_trampoline_lowered:
0x8: {  	[smem:$0x3FAC] =	sst s0  }
0x9: {  	[smem:$0x3FAD] =	sst s1  }
0xa: {  	[smem:$0x3FAE] =	sst s2  }
0xb: {  	[smem:$0x3FAF] =	sst s3  }
0xc: {  	[smem:$0x3FB0] =	sst s4  }
0xd: {  	[smem:$0x3FB1] =	sst s5  }
0xe: {  	[smem:$0x3FB2] =	sst s6  }
0xf: {  	[smem:$0x3FB3] =	sst s7  }
0x10: {  	[smem:$0x3FB4] =	sst s8  }
0x11: {  	[smem:$0x3FB5] =	sst s9;
	s0 =	simm.s32 @!p0 $0x0  }
0x12: {  	s1 =	sld [smem:$0x3F9B];
	s0 =	simm.s32 @p0 $0x1  }
0x13: {  	[smem:$0x3FB6] =	sst s0;
	s0 =	simm.s32 @!p1 $0x0  }
0x14: {  	s2 =	sld [smem:$0x3F9A];
	s0 =	simm.s32 @p1 $0x1  }
0x15: {  	[smem:$0x3FB7] =	sst s0;
	s0 =	simm.s32 @!p2 $0x0  }
0x16: {  	s3 =	sld [smem:$0x3FDB];
	s0 =	simm.s32 @p2 $0x1  }
0x17: {  	s4 =	simm.s32 $0x1BF5;
	[smem:$0x3FB9] =	sst s0  }
0x18: {  	s0 =	sld [smem:$0x3F9C];
	_ =	swait.ge [sflag:s4], $0x0  }
0x19: {  	s7 =	sld [smem:$0x3F9D]  }
0x1a: {  	s8 =	sadd.s32 $0xFFFFE003, lr  }
0x1b: {  	s9 =	sadd.s32 $0xFFFFFEF7, lr;
	s5 =	simm.s32 $0xFFFFFFFF;
	p2 =	slt.u32 s8, $0xFFFFF086  }
0x1c: {  	p1 =	slt.u32 s9, $0xF7A;
	s5 =	simm.s32 @!p2 $0x0  }
0x1d: {  	s5 =	simm.s32 @p1 $0x1;
	p0 =	seq.s32 s7, s2  }
0x1e: {  	s7 =	smul.u32 @!p0 $0xF7A, s2;
	p2 =	seq.s32 @!p0 s5, $0x0  }
0x1f: {  	s9 =	smul.u32 $0xF7A, s1;
	s8 =	simm.s32 @!p0 $0x1BF5;
	p2 =	por !p2, p0  }
0x20: {  	[sflag:s8] =	ssyncset.s32 @!p0 $0xFFFFF086;
	s6 =	sadd.s32 @!p0 s3, s7;
	s7 =	simm.s32 @!p0 $0x108  }
0x21: {  	s3 =	sadd.s32 s3, s9;
	s6 =	sadd.s32 @!p0 $0x88, s6;
	s7 =	simm.s32 @p2 $0x1082  }
0x22: {  	[simem:s7], [sflag:s8] =	dma.local @!p0 [hbm:s6], $0xF7A  }
0x23: {  	s9 =	sor.u32 $0xD0000000, s2;
	s6 =	simm.s32 $0x108;
	_ =	swait.ge @!p0 [sflag:s8], $0x0  }
0x24: {  	s3 =	sadd.s32 $0x88, s3;
	s6 =	simm.s32 @!p1 $0x1082;
	[sflag:s4] =	ssyncset.s32 $0xFFFFF086  }
0x25: {  	[simem:s6], [sflag:s4] =	dma.local [hbm:s3], $0xF7A  }
0x26: {  	[smem:$0x3F9D] =	sst s1;
	(tag) =	ssettag s2;
	_ =	strace s9  }
0x27: {  	s1 =	sld [smem:$0x3FAD]  }
0x28: {  	s2 =	sld [smem:$0x3FAE]  }
0x29: {  	s4 =	sld [smem:$0x3FB0]  }
0x2a: {  	p0 =	seq.s32 s5, $0x0;
	s5 =	sld [smem:$0x3FB1]  }
0x2b: {  	s6 =	sld [smem:$0x3FB2]  }
0x2c: {  	s7 =	sld [smem:$0x3FB3]  }
0x2d: {  	s3 =	simm.s32 $0x108;
	s8 =	sld [smem:$0x3FB4]  }
0x2e: {  	s3 =	simm.s32 @!p0 $0x1082;
	s9 =	sld [smem:$0x3FB5]  }
0x2f: {  	lr =	sadd.s32 s0, s3;
	s0 =	sld [smem:$0x3FAC]  }
0x30: {  	s3 =	sld [smem:$0x3FAF]  }
0x31: {  	[smem:$0x3FB8] =	sst s10  }
0x32: {  	s10 =	sld [smem:$0x3FB6];
	_ =	sdelay $0x3  }
0x33: {  	p0 =	seq.s32 s10, $0x1;
	s10 =	sld [smem:$0x3FB8];
	_ =	sdelay $0x3  }
0x34: {  	[smem:$0x3FB8] =	sst s10  }
0x35: {  	s10 =	sld [smem:$0x3FB7];
	_ =	sdelay $0x3  }
0x36: {  	p1 =	seq.s32 s10, $0x1;
	s10 =	sld [smem:$0x3FB8];
	_ =	sdelay $0x3  }
0x37: {  	[smem:$0x3FB8] =	sst s10  }
0x38: {  	s10 =	sld [smem:$0x3FB9]  }
0x39: {  	_ = 	snop;
	(pc) =	sbr.ind lr, $3  }
0x3a: {  	_ = 	snop  }
0x3b: {  	_ = 	snop  }
0x3c: {  	p2 =	seq.s32 s10, $0x1;
	s10 =	sld [smem:$0x3FB8]  }
0x3d: {  	_ =	shalt  }
0x3e: {  	_ =	shalt  }
0x3f: {  	_ =	shalt  }
0x40: {  	_ =	shalt  }
0x41: {  	_ =	shalt  }
0x42: {  	_ =	shalt  }
0x43: {  	_ =	shalt  }
0x44: {  	_ =	shalt  }
0x45: {  	_ =	shalt  }
0x46: {  	_ =	shalt  }
0x47: {  	_ =	shalt  }
0x48: {  	_ =	shalt  }
0x49: {  	_ =	shalt  }
0x4a: {  	_ =	shalt  }
0x4b: {  	_ =	shalt  }
0x4c: {  	_ =	shalt  }
0x4d: {  	_ =	shalt  }
0x4e: {  	_ =	shalt  }
0x4f: {  	_ =	shalt  }
0x50: {  	_ =	shalt  }
0x51: {  	_ =	shalt  }
0x52: {  	_ =	shalt  }
0x53: {  	_ =	shalt  }
0x54: {  	_ =	shalt  }
0x55: {  	_ =	shalt  }
0x56: {  	_ =	shalt  }
0x57: {  	_ =	shalt  }
0x58: {  	_ =	shalt  }
0x59: {  	_ =	shalt  }
0x5a: {  	_ =	shalt  }
0x5b: {  	_ =	shalt  }
0x5c: {  	_ =	shalt  }
0x5d: {  	_ =	shalt  }
0x5e: {  	_ =	shalt  }
0x5f: {  	_ =	shalt  }
0x60: {  	_ =	shalt  }
0x61: {  	_ =	shalt  }
0x62: {  	_ =	shalt  }
0x63: {  	_ =	shalt  }
0x64: {  	_ =	shalt  }
0x65: {  	_ =	shalt  }
0x66: {  	_ =	shalt  }
0x67: {  	_ =	shalt  }
0x68: {  	_ =	shalt  }
0x69: {  	_ =	shalt  }
0x6a: {  	_ =	shalt  }
0x6b: {  	_ =	shalt  }
0x6c: {  	_ =	shalt  }
0x6d: {  	_ =	shalt  }
0x6e: {  	_ =	shalt  }
0x6f: {  	_ =	shalt  }
0x70: {  	_ =	shalt  }
0x71: {  	_ =	shalt  }
0x72: {  	_ =	shalt  }
0x73: {  	_ =	shalt  }
0x74: {  	_ =	shalt  }
0x75: {  	_ =	shalt  }
0x76: {  	_ =	shalt  }
0x77: {  	_ =	shalt  }
0x78: {  	_ =	shalt  }
0x79: {  	_ =	shalt  }
0x7a: {  	_ =	shalt  }
0x7b: {  	_ =	shalt  }
0x7c: {  	_ =	shalt  }
0x7d: {  	_ =	shalt  }
0x7e: {  	_ =	shalt  }
0x7f: {  	_ =	shalt  }
0x80: {  	_ =	shalt  }
0x81: {  	_ =	shalt  }
0x82: {  	_ =	shalt  }
0x83: {  	_ =	shalt  }
0x84: {  	_ =	shalt  }
0x85: {  	_ =	shalt  }
0x86: {  	_ =	shalt  }
0x87: {  	_ =	shalt  }
.Lfunc_end0:
.L_simem_size_0:
called_computation_lowered:
.L_overlay_start_0:
0x88: {  	s2 =	sld [smem:$0x3FD9]  }
0x89: {  	s3 =	sld [smem:$0x3FFE];
	_ =	sdelay $0x1  }
0x8a: {  	s1 =	srdreg.scid  }
0x8b: {  	s0 =	sand.u32 $0x1, s1  }
0x8c: {  	s17 =	sshll.u32 s0, $0xA;
	s2 =	sadd.s32 s3, s2  }
0x8d: {  	s2 =	sadd.s32 s2, s17  }
0x8e: {  	[smem:$0x3FC4] =	sst s2  }
0x8f: {  	_ = 	snop  }
0x90: {  	s2 =	sld [smem:$0x3FD0];
	(tm) =	ssettm $0x1  }
0x91: {  	s18 =	sld [smem:$0x3FFB];
	_ =	sdelay $0x3  }
0x92: {  	_ =	strace s18  }
0x93: {  	s3 =	sld [smem:$0x3FFC];
	_ =	sdelay $0x3  }
0x94: {  	_ =	strace s3  }
0x95: {  	s3 =	sld [smem:$0x3FFD];
	_ =	sdelay $0x3  }
0x96: {  	_ =	strace s3  }
0x97: {  	_ =	strace $0x8FFFFFFF  }
0x98: {  	s19 =	sld [smem:$0x3FDB];
	_ =	sdelay $0x1  }
0x99: {  	s4 =	simm.s32 $_scs_section_size  }
0x9a: {  	s5 =	simm.s32 $_size__tile_overlayer_lowered;
	s6 =	simm.s32 $_tile_overlayer_lowered  }
0x9b: {  	s22 =	simm.s32 $0x1BFF;
	s21 =	sshll.u32 s6, $0x1;
	s3 =	sadd.s32 s4, s19  }
0x9c: {  	s7 =	simm.s32 $0x0;
	s20 =	sshll.u32 s5, $0x1;
	s5 =	sadd.s32 s21, s3  }
0x9d: {  	[timem:s7], [sflag:s22] =	dma.local [hbm:s5], s20  }
0x9e: {  	_ =	swait.ge [sflag:s22], s20  }
0x9f: {  	s4 =	ssub.s32 $0x0, s20;
	[sflag:s22] =	ssyncset.done $0x0  }
0xa0: {  	[sflag:s22] =	ssyncadd.s32 s4;
	_ =	sdelay $0x1  }
0xa1: {  	s23 =	simm.s32 $0x1B8B  }
0xa2: {  	_ =	swait.ge [sflag:s23], $0x1  }
0xa3: {  	[sflag:s23] =	ssyncset.done $0x0  }
0xa4: {  	s25 =	simm.s32 $0x1B8E;
	s24 =	sld [smem:$0x3FFE];
	[sflag:s23] =	ssyncadd.s32 $0xFFFFFFFF  }
0xa5: {  	s26 =	simm.s32 $execute0_lowered;
	[smem:$0x3FD2] =	sst s25  }
0xa6: {  	s5 =	sshll.u32 s26, $0x1;
	_ =	strace $0x80000046;
	[dreg:$0x1] =	wrdreg $0xFFFFFFFF  }
0xa7: {  	s28 =	simm.s32 $_size_execute0_lowered;
	s3 =	sadd.s32 s3, s5;
	[dreg:$0x0] =	wrdreg $0x0  }
0xa8: {  	s5 =	sshll.u32 s28, $0x1;
	[dreg:$0x2] =	wrdreg s3  }
0xa9: {  	[dreg:$0x3] =	wrdreg s5  }
0xaa: {  	[dreg:$0x4] =	wrdreg $0xC0  }
0xab: {  	_ =	task [dreg:s7], $0x5FFFF  }
0xac: {  	[dreg:$0x1] =	wrdreg $0xFFFFFFFF  }
0xad: {  	[dreg:$0x0] =	wrdreg $0x60  }
0xae: {  	[dreg:$0x2] =	wrdreg s24  }
0xaf: {  	[dreg:$0x3] =	wrdreg s2  }
0xb0: {  	[dreg:$0x4] =	wrdreg $0x9  }
0xb1: {  	_ =	task.clear_ibuf [dreg:s7], $0x5FFFF;
	_ =	strace $0x90000046  }
0xb2: {  	s29 =	simm.s32 $0x9;
	_ =	strace $0x80000048  }
0xb3: {  	_ =	swait.ge [sflag:s29], $0x1  }
0xb4: {  	[sflag:s29] =	ssyncadd.s32 $0xFFFFFFFF  }
0xb5: {  	_ =	strace $0x90000048  }
0xb6: {  	_ =	sfence  }
0xb7: {  	s30 =	sld [smem:$0x0];
	_ =	sdelay $0x2  }
0xb8: {  	s31 =	sshll.u32 s1, $0xD;
	s1 =	sshrl.u32 s1, $0x2  }
0xb9: {  	s3 =	sand.u32 $0x4000, s31;
	s1 =	sadd.s32 s1, s30  }
0xba: {  	s0 =	sor.u32 s3, s0;
	s1 =	sshll.u32 s1, $0x11  }
0xbb: {  	s0 =	sor.u32 s1, s0  }
0xbc: {  	s0 =	sadd.s32 $0x8F2B, s0  }
0xbd: {  	[sflag:s0] =	ssyncadd.remote.s32 $0x1  }
0xbe: {  	_ =	sfence.sel $0xFFFF  }
0xbf: {  	[dreg:$0x0] =	wrdreg $0xFFFFFFFF;
	(pc) =	sbr.abs _section_cstart, $3  }
0xc0: {  	[dreg:$0x1] =	wrdreg $0xFFFFFFFF  }
0xc1: {  	_ =	task.clear_ibuf [dreg:s7], $0x2FFFF;
	_ =	strace $0x9FFFFFFF  }
0xc2: {  	(tm) =	ssettm $0x7FFFFFFF  }
0xc3: {  	_ =	shalt  }
tec
execute0_lowered:
.L_overlay_start_1:
0x0: {  	(tag) =	ssettag $0x1  }
0x1: {  	s5 =	rddreg [dreg:$0x0]  }
0x2: {  	s9 =	rddreg [dreg:$0x1]  }
0x3: {  	s0 =	rddreg [dreg:$0x2]  }
0x4: {  	s3 =	srdreg.scid;
	s1 =	stileid.u32  }
0x5: {  	s2 =	simm.s32 $0x0;
	s14 =	simm.s32 $0x2900;
	s15 =	simm.s32 $0x100  }
0x6: {  	s16 =	simm.s32 $0x1100;
	s17 =	simm.s32 $0x6100;
	s18 =	simm.s32 $0x6110  }
0x7: {  	s19 =	simm.s32 $0x1;
	s20 =	simm.s32 $0x3100;
	s21 =	simm.s32 $0x0  }
0x8: {  	s6 =	sand.u32 $0x1, s3;
	s29 =	sshll.u32 s1, $0x1;
	[smem:$0x7FF] =	sst s2  }
0x9: {  	s30 =	sshrl.u32 s1, $0x1;
	s3 =	sadd.s32 $0x1000, s5;
	s7 =	sor.u32 s6, s29  }
0xa: {  	_ =	strace $0x80000047;
	s4 =	sand.u32 $0x6, s30;
	s6 =	ssub.s32 $0x2, s6  }
0xb: {  	s8 =	sshll.u32 s7, $0x9;
	s11 =	sadd.s32 s4, s5;
	s4 =	sadd.s32 $0xE00, s5  }
0xc: {  	s12 =	sshll.u32 s7, $0x5;
	s31 =	sshrl.u32 s6, $0x1;
	s13 =	smul.u32 $0x600, s7  }
0xd: {  	s10 =	sadd.s32 s8, s5;
	s5 =	sadd.s32 s12, s5;
	s12 =	ssub.s32 s6, s31  }
0xe: {  	s7 =	sadd.s32 s3, s8;
	s8 =	sadd.s32 $0x9400, s11;
	s11 =	simm.s32 $0x2  }
0xf: {  	s5 =	sadd.s32 $0x5000, s5;
	s6 =	sadd.s32 $0x5400, s10;
	s9 =	sadd.s32 s9, s13  }
0x10: {  	s10 =	smax.u32 s12, $0x1;
	s12 =	simm.s32 $0x80;
	s13 =	simm.s32 $0x2100  }
.LBB2_1:
0x11: {  	[tilespmem:s2], [sflag:$0x2] =	stream.linear.gather [hbm4b:s5+s2], $0x100, $0x38;
	[tilespmem:$0x6120] =	vst v63  }
0x12: {  	_ =	swait.ge [sflag:s11], $0x100  }
0x13: {  	[sflag:s11] =	ssyncset.done $0x0  }
0x14: {  	[sflag:s11] =	ssyncadd.s32 $0xFFFFFF00  }
0x15: {  	[tilespmem:s13], [sflag:$0x1] =	stream.indirect.gather [hbm4b:s3+s12], $0x10, s2, s12, $0xb8;
	[tilespmem:$0x6120] =	vst v63  }
0x16: {  	_ = 	snop  }
0x17: {  	[tilespmem:s14], [sflag:$0x1] =	stream.indirect.gather [hbm4b:s3+s12], $0x10, s12, s12, $0xb8;
	[tilespmem:$0x6120] =	vst v63  }
0x18: {  	_ = 	snop  }
0x19: {  	[tilespmem:s15], [sflag:$0x2] =	stream.linear.gather [hbm4b:s6+s2], $0x1000, $0x38;
	[tilespmem:$0x6120] =	vst v63  }
0x1a: {  	_ =	swait.ge [sflag:s11], $0x1000  }
0x1b: {  	[sflag:s11] =	ssyncset.done $0x0  }
0x1c: {  	[sflag:s11] =	ssyncadd.s32 $0xFFFFF000  }
0x1d: {  	[tilespmem:s16], [sflag:$0x2] =	stream.linear.gather [hbm4b:s7+s2], $0x1000, $0x38;
	[tilespmem:$0x6120] =	vst v63  }
0x1e: {  	_ =	swait.ge [sflag:s11], $0x1000  }
0x1f: {  	[sflag:s11] =	ssyncset.done $0x0  }
0x20: {  	[sflag:s11] =	ssyncadd.s32 $0xFFFFF000  }
0x21: {  	[tilespmem:s17], [sflag:$0x2] =	stream.linear.gather [hbm4b:s8+s2], $0x10, $0x38;
	[tilespmem:$0x6120] =	vst v63  }
0x22: {  	_ =	swait.ge [sflag:s11], $0x10  }
0x23: {  	[sflag:s11] =	ssyncset.done $0x0  }
0x24: {  	[sflag:s11] =	ssyncadd.s32 $0xFFFFFFF0  }
0x25: {  	[tilespmem:s18], [sflag:$0x2] =	stream.linear.gather [hbm4b:s4+s2], $0x10, $0x38;
	[tilespmem:$0x6120] =	vst v63  }
0x26: {  	_ =	swait.ge [sflag:s11], $0x10  }
0x27: {  	[sflag:s11] =	ssyncset.done $0x0  }
0x28: {  	[sflag:s11] =	ssyncadd.s32 $0xFFFFFFF0  }
0x29: {  	_ =	swait.ge [sflag:s19], $0x800  }
0x2a: {  	[sflag:s19] =	ssyncset.done $0x0  }
0x2b: {  	[sflag:s19] =	ssyncadd.s32 $0xFFFFF800  }
0x2c: {  	_ =	swait.ge [sflag:s19], $0x800  }
0x2d: {  	[sflag:s19] =	ssyncset.done $0x0  }
0x2e: {  	[sflag:s19] =	ssyncadd.s32 $0xFFFFF800  }
0x2f: {  	v0 =	vld [tilespmem:$0x6100]  }
0x30: {  	s24 =	simm.s32 $0x0;
	v2 =	vld [tilespmem:$0x6110]  }
0x31: {  	v3 =	vld [tilespmem:s24+$0x1100]  }
0x32: {  	v4 =	vld [tilespmem:s24+$0x100];
	_ =	sdelay $0x3  }
0x33: {  	v1 =	vsub.f32 $1.000000000e+00, v0;
	vm0 =	vgt.f32 v2, $0.0e+00  }
0x34: {  	v2 =	vsel vm0, v3, v4  }
0x35: {  	v57 =	vmul.f32 v3, v0;
	v5 =	vmul.f32 v2, v1;
	_ =	sdelay $0x1  }
0x36: {  	v2 =	vsub.f32 v3, v2;
	v4 =	vadd.f32 v5, v57  }
0x37: {  	s22 =	simm.s32 $0x3160  }
0x38: {  	[tilespmem:s22+$0xFFFFFFB0] =	vst v2;
	v3 =	vsel vm0, v3, v4  }
0x39: {  	[tilespmem:s22+$0xFFFFFFA0] =	vst v3  }
0x3a: {  	v2 =	vld [tilespmem:s24+$0x2100];
	_ =	sdelay $0x4  }
0x3b: {  	[tilespmem:s22+$0xFFFFFFC0] =	vst v2  }
0x3c: {  	v2 =	vld [tilespmem:s24+$0x1110]  }
0x3d: {  	v3 =	vld [tilespmem:s24+$0x110];
	_ =	sdelay $0x4  }
0x3e: {  	v3 =	vsel vm0, v2, v3  }
0x3f: {  	v58 =	vmul.f32 v2, v0;
	v59 =	vmul.f32 v3, v1;
	_ =	sdelay $0x1  }
0x40: {  	v3 =	vsub.f32 v2, v3;
	v4 =	vadd.f32 v59, v58;
	_ =	sdelay $0x1  }
0x41: {  	[tilespmem:s22+$0xFFFFFFE0] =	vst v3;
	v2 =	vsel vm0, v2, v4  }
0x42: {  	[tilespmem:s22+$0xFFFFFFD0] =	vst v2  }
0x43: {  	v2 =	vld [tilespmem:s24+$0x2110];
	_ =	sdelay $0x4  }
0x44: {  	[tilespmem:s22+$0xFFFFFFF0] =	vst v2  }
0x45: {  	v2 =	vld [tilespmem:s24+$0x1120]  }
0x46: {  	v3 =	vld [tilespmem:s24+$0x120];
	_ =	sdelay $0x4  }
0x47: {  	v3 =	vsel vm0, v2, v3  }
0x48: {  	v60 =	vmul.f32 v2, v0;
	v61 =	vmul.f32 v3, v1;
	_ =	sdelay $0x1  }
0x49: {  	v3 =	vsub.f32 v2, v3;
	v4 =	vadd.f32 v61, v60;
	_ =	sdelay $0x1  }
0x4a: {  	[tilespmem:s22+$0x10] =	vst v3;
	v2 =	vsel vm0, v2, v4  }
0x4b: {  	[tilespmem:s22+$0x0] =	vst v2  }
0x4c: {  	v2 =	vld [tilespmem:s24+$0x2120];
	_ =	sdelay $0x4  }
0x4d: {  	[tilespmem:s22+$0x20] =	vst v2  }
0x4e: {  	v2 =	vld [tilespmem:s24+$0x1130]  }
0x4f: {  	v3 =	vld [tilespmem:s24+$0x130];
	_ =	sdelay $0x4  }
0x50: {  	v3 =	vsel vm0, v2, v3  }
0x51: {  	v62 =	vmul.f32 v2, v0;
	v63 =	vmul.f32 v3, v1;
	_ =	sdelay $0x1  }
0x52: {  	v3 =	vsub.f32 v2, v3;
	v4 =	vadd.f32 v63, v62;
	_ =	sdelay $0x1  }
0x53: {  	[tilespmem:s22+$0x40] =	vst v3;
	v2 =	vsel vm0, v2, v4  }
0x54: {  	[tilespmem:s22+$0x30] =	vst v2  }
0x55: {  	s23 =	simm.s32 $0x100;
	v2 =	vld [tilespmem:s24+$0x2130];
	s24 =	simm.s32 $0x3160  }
.LBB2_2:
0x56: {  	p0 =	sne.s32 s23, $0x3F00  }
0x57: {  	s22 =	sadd.s32 $0xC0, s22;
	s25 =	smov.u32 s23;
	s23 =	sadd.s32 $0x100, s23  }
0x58: {  	_ =	sdelay $0x2  }
0x59: {  	s25 =	sshra.s32 s25, $0x2;
	[tilespmem:s24+$0x50] =	vst v2;
	s24 =	smov.u32 s22  }
0x5a: {  	v2 =	vld [tilespmem:s25+$0x1100]  }
0x5b: {  	v3 =	vld [tilespmem:s25+$0x100];
	_ =	sdelay $0x4  }
0x5c: {  	v4 =	vmul.f32 v2, v0;
	v3 =	vsel vm0, v2, v3  }
0x5d: {  	v5 =	vmul.f32 v3, v1;
	v3 =	vsub.f32 v2, v3;
	_ =	sdelay $0x1  }
0x5e: {  	v4 =	vadd.f32 v5, v4;
	_ =	sdelay $0x1  }
0x5f: {  	v2 =	vsel vm0, v2, v4;
	[tilespmem:s22+$0xFFFFFFB0] =	vst v3  }
0x60: {  	[tilespmem:s22+$0xFFFFFFA0] =	vst v2  }
0x61: {  	v2 =	vld [tilespmem:s25+$0x2100];
	_ =	sdelay $0x4  }
0x62: {  	[tilespmem:s22+$0xFFFFFFC0] =	vst v2  }
0x63: {  	v2 =	vld [tilespmem:s25+$0x1110]  }
0x64: {  	v3 =	vld [tilespmem:s25+$0x110];
	_ =	sdelay $0x3  }
0x65: {  	v4 =	vmul.f32 v2, v0  }
0x66: {  	v3 =	vsel vm0, v2, v3  }
0x67: {  	v5 =	vmul.f32 v3, v1;
	v3 =	vsub.f32 v2, v3;
	_ =	sdelay $0x1  }
0x68: {  	v4 =	vadd.f32 v5, v4;
	_ =	sdelay $0x1  }
0x69: {  	v2 =	vsel vm0, v2, v4;
	[tilespmem:s22+$0xFFFFFFE0] =	vst v3  }
0x6a: {  	[tilespmem:s22+$0xFFFFFFD0] =	vst v2  }
0x6b: {  	v2 =	vld [tilespmem:s25+$0x2110];
	_ =	sdelay $0x4  }
0x6c: {  	[tilespmem:s22+$0xFFFFFFF0] =	vst v2  }
0x6d: {  	v2 =	vld [tilespmem:s25+$0x1120]  }
0x6e: {  	v3 =	vld [tilespmem:s25+$0x120];
	_ =	sdelay $0x3  }
0x6f: {  	v4 =	vmul.f32 v2, v0  }
0x70: {  	v3 =	vsel vm0, v2, v3  }
0x71: {  	v5 =	vmul.f32 v3, v1;
	v3 =	vsub.f32 v2, v3;
	_ =	sdelay $0x1  }
0x72: {  	v4 =	vadd.f32 v5, v4;
	[tilespmem:s22+$0x10] =	vst v3;
	_ =	sdelay $0x1  }
0x73: {  	v2 =	vsel vm0, v2, v4  }
0x74: {  	[tilespmem:s22+$0x0] =	vst v2  }
0x75: {  	v2 =	vld [tilespmem:s25+$0x2120];
	_ =	sdelay $0x4  }
0x76: {  	[tilespmem:s22+$0x20] =	vst v2  }
0x77: {  	v2 =	vld [tilespmem:s25+$0x1130]  }
0x78: {  	v3 =	vld [tilespmem:s25+$0x130];
	_ =	sdelay $0x3  }
0x79: {  	v4 =	vmul.f32 v2, v0  }
0x7a: {  	v3 =	vsel vm0, v2, v3  }
0x7b: {  	v5 =	vmul.f32 v3, v1;
	v3 =	vsub.f32 v2, v3;
	_ =	sdelay $0x1  }
.Ltmp0:
0x7c: {  	v4 =	vadd.f32 v5, v4;
	[tilespmem:s22+$0x40] =	vst v3;
	(pc) =	sbr.rel @p0 .LBB2_2-.Ltmp0, $4  }
0x7d: {  	_ = 	snop  }
0x7e: {  	v2 =	vsel vm0, v2, v4  }
0x7f: {  	[tilespmem:s22+$0x30] =	vst v2  }
0x80: {  	v2 =	vld [tilespmem:s25+$0x2130]  }
0x81: {  	_ =	sdelay $0x1  }
0x82: {  	s21 =	sadd.s32 $0x1, s21  }
0x83: {  	p0 =	sne.s32 s21, s10  }
.Ltmp1:
0x84: {  	[tilespmem:s24+$0x50] =	vst v2;
	(pc) =	sbr.rel @p0 .LBB2_1-.Ltmp1, $4  }
0x85: {  	[hbm4b:s9+s2] =	stream.linear.scatter [tilespmem:s20], [sflag:$0x2], $0x3000, $0x38;
	[tilespmem:$0x6120] =	vst v63  }
0x86: {  	_ =	swait.ge [sflag:s11], $0x3000  }
0x87: {  	[sflag:s11] =	ssyncset.done $0x0  }
0x88: {  	[sflag:s11] =	ssyncadd.s32 $0xFFFFD000  }
0x89: {  	_ =	sfence.sel $0x180000  }
0x8a: {  	[bflag:$0x0] =	sbarrier.arrive $0xFFFF  }
0x8b: {  	p0 =	sne.s32 s1, $0x0;
	_ =	strace $0x90000047  }
0x8c: {  	s0 =	sadd.s32 @!p0 $0x100000, s0;
	[bflag:$0x2] =	sbarrier.arrive $0xFFFF  }
0x8d: {  	[sflag:s0] =	ssyncadd.tile.s32 @!p0 $0x1;
	_ =	shalt  }
.Lfunc_end2:
_tile_overlayer_lowered:
.L_overlay_start_2:
0x8e: {  	(tag) =	ssettag $0x2  }
0x8f: {  	s0 =	rddreg [dreg:$0x0];
	s2 =	stileid.u32  }
0x90: {  	s1 =	rddreg [dreg:$0x1];
	p0 =	sne.s32 s2, $0x0  }
0x91: {  	s3 =	rddreg [dreg:$0x2];
	[bflag:$0x3] =	sbarrier.arrive $0xFFFF;
	s2 =	simm.s32 @!p0 $0x1C02  }
0x92: {  	[timem:s3], [sflag:s2] =	dma.local @!p0 [hbm:s0], s1  }
0x93: {  	s0 =	simm.s32 @!p0 $0x2  }
0x94: {  	_ =	swait.ge @!p0 [sflag:s0], s1  }
0x95: {  	s1 =	ssub.s32 @!p0 $0x0, s1;
	[sflag:s0] =	ssyncset.done @!p0 $0x0  }
0x96: {  	[sflag:s0] =	ssyncadd.s32 @!p0 s1  }
0x97: {  	[bflag:$0x3] =	sbarrier.arrive $0xFFFF  }
0x98: {  	_ =	shalt  }

</sc_bundles>
